<compile_context>
chip_gen: v7x
topology: tpu7x:2x2x1
jax: 0.10.2.dev20260603
libtpu: 0.0.44.dev20260713+nightly
codegen_flags: <defaults>
</compile_context>

<pallas_src>
import functools

import jax
import jax.numpy as jnp
from jax import lax
from jax.experimental import pallas as pl
from jax.experimental.pallas import tpu as pltpu
from jax.experimental.pallas import tpu_sc as plsc

N = 50000
M = 10000
K = 27
CIN = 256
COUT = 256

NC = 2
NS = 16
NW = NC * NS

SUB = 128

B = K * M
B_PAD = 270336

G = 8
GW = COUT // G
ACC_R = 50016
DUMMY = N
ZROWS = 1042
STRIPE = ACC_R // NS
DROWS = N // NS


@functools.cache
def _mesh():
    return plsc.VectorSubcoreMesh(
        core_axis_name="c", subcore_axis_name="s", num_cores=NC, num_subcores=NS
    )


@functools.cache
def _gather_fn(pad, width):
    subs_w = pad // NW // SUB
    rows_w = pad // NW

    def body(feat_hbm, idx_hbm, out_hbm, idx_v, rows_a, rows_b, sem_a,
             sem_b):
        c = lax.axis_index("c")
        s = lax.axis_index("s")
        wid = s * NC + c
        pltpu.sync_copy(idx_hbm.at[wid], idx_v)
        base = wid * rows_w

        def issue(i, buf, sem):
            j = jnp.minimum(i, subs_w - 1)
            pltpu.async_copy(feat_hbm.at[idx_v.at[j]], buf, sem)

        def drain(buf, sem):
            pltpu.make_async_copy(feat_hbm.at[idx_v.at[0]], buf, sem).wait()

        issue(0, rows_a, sem_a)

        def pair(i2, carry):
            i = 2 * i2
            issue(i + 1, rows_b, sem_b)
            drain(rows_a, sem_a)
            pltpu.sync_copy(rows_a, out_hbm.at[pl.ds(base + i * SUB, SUB)])
            issue(i + 2, rows_a, sem_a)
            drain(rows_b, sem_b)
            pltpu.sync_copy(
                rows_b, out_hbm.at[pl.ds(base + (i + 1) * SUB, SUB)]
            )
            return carry

        lax.fori_loop(0, subs_w // 2, pair, 0)
        drain(rows_a, sem_a)

    @jax.jit
    def run(features, idx3d):
        return pl.kernel(
            body,
            out_type=jax.ShapeDtypeStruct((pad, width), jnp.float32),
            mesh=_mesh(),
            scratch_types=[
                pltpu.VMEM((subs_w, SUB), jnp.int32),
                pltpu.VMEM((SUB, width), jnp.float32),
                pltpu.VMEM((SUB, width), jnp.float32),
                pltpu.SemaphoreType.DMA,
                pltpu.SemaphoreType.DMA,
            ],
        )(features, idx3d)

    return run


TM = 1000


def _gemm_body(x_ref, w_ref, o1_ref, o2_ref):
    res = jnp.dot(
        x_ref[...].astype(jnp.bfloat16),
        w_ref[0].astype(jnp.bfloat16),
        preferred_element_type=jnp.float32,
    )
    o1_ref[...] = res[:, :128]
    o2_ref[...] = res[:, 128:]


@functools.cache
def _gemm_fn(nk, pad):
    mt = M // TM

    @jax.jit
    def run(gathered, weight):
        return pl.pallas_call(
            _gemm_body,
            grid=(nk, mt),
            in_specs=[
                pl.BlockSpec((TM, CIN), lambda k, m: (k * mt + m, 0)),
                pl.BlockSpec((1, CIN, COUT), lambda k, m: (k, 0, 0)),
            ],
            out_specs=[
                pl.BlockSpec((TM, 128), lambda k, m: (k * mt + m, 0)),
                pl.BlockSpec((TM, 128), lambda k, m: (k * mt + m, 0)),
            ],
            out_shape=[
                jax.ShapeDtypeStruct((pad, 128), jnp.float32),
                jax.ShapeDtypeStruct((pad, 128), jnp.float32),
            ],
        )(gathered, weight)

    return run


ST = B_PAD // NS // SUB


def _scatter_body(p_lo, p_hi, oi_hbm, zeros_hbm, out_lo, out_hi,
                  idx_v, rows_a, rows_b, rows_c, acc, sem_a, sem_b, sem_c):
    c = lax.axis_index("c")
    s = lax.axis_index("s")
    pltpu.sync_copy(oi_hbm.at[s], idx_v)

    def accumulate(prod_hbm, idx_v, subs_t, rows_t, g32):
        def issue(i, buf, sem):
            r = jnp.minimum(i, subs_t - 1) * SUB + s * rows_t
            pltpu.async_copy(
                prod_hbm.at[pl.ds(r, SUB), pl.ds(g32, GW)], buf, sem
            )

        def drain(buf, sem):
            pltpu.make_async_copy(
                prod_hbm.at[pl.ds(0, SUB), pl.ds(g32, GW)], buf, sem
            ).wait()

        issue(0, rows_a, sem_a)
        issue(1, rows_b, sem_b)

        def triple(i3, carry):
            i = 3 * i3
            issue(i + 2, rows_c, sem_c)
            drain(rows_a, sem_a)
            pltpu.sync_copy(rows_a, acc.at[idx_v.at[i]], add=True)
            issue(i + 3, rows_a, sem_a)
            drain(rows_b, sem_b)
            pltpu.sync_copy(rows_b, acc.at[idx_v.at[i + 1]], add=True)
            issue(i + 4, rows_b, sem_b)
            drain(rows_c, sem_c)
            pltpu.sync_copy(rows_c, acc.at[idx_v.at[i + 2]], add=True)
            return carry

        lax.fori_loop(0, subs_t // 3, triple, 0)
        drain(rows_a, sem_a)
        drain(rows_b, sem_b)

    def run_group(prod, out_hbm, g32):
        for z in range(3):
            pltpu.sync_copy(
                zeros_hbm, acc.at[pl.ds(s * STRIPE + z * ZROWS, ZROWS)]
            )
        plsc.subcore_barrier()
        accumulate(prod, idx_v, ST, B_PAD // NS, g32)
        plsc.subcore_barrier()
        pltpu.sync_copy(
            acc.at[pl.ds(s * DROWS, DROWS)],
            out_hbm.at[pl.ds(s * DROWS, DROWS), pl.ds(g32, GW)],
        )
        plsc.subcore_barrier()

    for cc, (p_cc, o_cc) in enumerate(((p_lo, out_lo), (p_hi, out_hi))):
        @pl.when(c == cc)
        def _():
            for j in range(G // NC):
                run_group(p_cc, o_cc, j * GW)


@jax.jit
def _scatter(p_lo, p_hi, oi):
    zeros = jnp.zeros((ZROWS, GW), jnp.float32)
    return pl.kernel(
        _scatter_body,
        out_type=[
            jax.ShapeDtypeStruct((N, 128), jnp.float32),
            jax.ShapeDtypeStruct((N, 128), jnp.float32),
        ],
        mesh=_mesh(),
        scratch_types=[
            pltpu.VMEM((ST, SUB), jnp.int32),
            pltpu.VMEM((SUB, GW), jnp.float32),
            pltpu.VMEM((SUB, GW), jnp.float32),
            pltpu.VMEM((SUB, GW), jnp.float32),
            pltpu.VMEM_SHARED((ACC_R, GW), jnp.float32),
            pltpu.SemaphoreType.DMA,
            pltpu.SemaphoreType.DMA,
            pltpu.SemaphoreType.DMA,
        ],
        compiler_params=pltpu.CompilerParams(use_tc_tiling_on_sc=False),
    )(p_lo, p_hi, oi, zeros)


TN = 2000


def _bn_body(ylo_ref, yhi_ref, g_ref, b_ref, o_ref, s_ref, q_ref):
    p = pl.program_id(0)
    t = pl.program_id(1)

    @pl.when(p == 0)
    def _():
        @pl.when(t == 0)
        def _():
            s_ref[...] = jnp.zeros_like(s_ref)
            q_ref[...] = jnp.zeros_like(q_ref)

        x = jnp.concatenate([ylo_ref[...], yhi_ref[...]], axis=1)
        s_ref[...] += jnp.sum(x, axis=0, keepdims=True)
        q_ref[...] += jnp.sum(x * x, axis=0, keepdims=True)

    @pl.when(p == 1)
    def _():
        x = jnp.concatenate([ylo_ref[...], yhi_ref[...]], axis=1)
        mean = s_ref[...] * (1.0 / N)
        var = q_ref[...] * (1.0 / N) - mean * mean
        inv = lax.rsqrt(var + 1e-5) * g_ref[...]
        o_ref[...] = jnp.maximum((x - mean) * inv + b_ref[...], 0.0)


@jax.jit
def _bn(ylo, yhi, gamma2, beta2):
    return pl.pallas_call(
        _bn_body,
        grid=(2, N // TN),
        in_specs=[
            pl.BlockSpec((TN, 128), lambda p, t: (t, 0)),
            pl.BlockSpec((TN, 128), lambda p, t: (t, 0)),
            pl.BlockSpec((1, COUT), lambda p, t: (0, 0)),
            pl.BlockSpec((1, COUT), lambda p, t: (0, 0)),
        ],
        out_specs=pl.BlockSpec((TN, COUT), lambda p, t: (t, 0)),
        out_shape=jax.ShapeDtypeStruct((N, COUT), jnp.float32),
        scratch_shapes=[
            pltpu.VMEM((1, COUT), jnp.float32),
            pltpu.VMEM((1, COUT), jnp.float32),
        ],
    )(ylo, yhi, gamma2, beta2)


def _pad_idx(flat, pad_to, fill):
    return jnp.concatenate(
        [flat.astype(jnp.int32),
         jnp.full((pad_to - flat.shape[0],), fill, jnp.int32)]
    )


def kernel(features, in_idx, out_idx, weight, bias, gamma, beta):
    del bias
    ii = _pad_idx(in_idx.reshape(-1), B_PAD, 0).reshape(
        NW, B_PAD // NW // SUB, SUB
    )
    oi = _pad_idx(out_idx.reshape(-1), B_PAD, DUMMY).reshape(NS, ST, SUB)

    g = _gather_fn(B_PAD, CIN)(features, ii)
    p_lo, p_hi = _gemm_fn(K, B_PAD)(g, weight)
    ylo, yhi = _scatter(p_lo, p_hi, oi)
    return _bn(ylo, yhi, gamma.reshape(1, COUT), beta.reshape(1, COUT))

# --- scband reference (transcript-rebuilt; emitter-appended) ---
"""Pipeline reference for scband-simple-sparse-conv-model-20564303414101 (READ-ONLY COPY).

The authoritative reference and input builder live on the scoring server;
editing this copy changes nothing except your own understanding.
"""

import jax, jax.numpy as jnp
import numpy as np

N = 50000   # active voxels
M = 10000   # kernel-map pairs per kernel offset
K = 27      # 3x3x3 kernel volume
CIN = 256
COUT = 256


def setup_inputs(seed: int = 0) -> dict:
    key = jax.random.key(seed)
    ks = jax.random.split(key, 5)
    features = jax.random.normal(ks[0], (N, CIN), dtype=jnp.float32)
    # Precomputed sparse-conv kernel map: for kernel offset k, pair m maps
    # input voxel in_idx[k, m] -> output voxel out_idx[k, m].
    in_idx = jax.random.randint(ks[1], (K, M), 0, N)
    out_idx = jax.random.randint(ks[2], (K, M), 0, N)
    weight = jax.random.normal(ks[3], (K, CIN, COUT), dtype=jnp.float32) * (1.0 / np.sqrt(K * CIN))
    bias = jax.random.normal(ks[4], (COUT,), dtype=jnp.float32) * 0.01
    gamma = jnp.ones((COUT,), dtype=jnp.float32)
    beta = jnp.zeros((COUT,), dtype=jnp.float32)
    return {
        'features': features,
        'in_idx': in_idx,
        'out_idx': out_idx,
        'weight': weight,
        'bias': bias,
        'gamma': gamma,
        'beta': beta,
    }


def reference(features, in_idx, out_idx, weight, bias, gamma, beta):
    # SpatiallySparseConv with fwd_algo='explicit_gemm':
    # gather -> per-offset GEMM -> scatter-add, then bias.
    gathered = jnp.take(features, in_idx, axis=0)            # [K, M, CIN]
    prod = jnp.einsum('kmi,kio->kmo', gathered, weight)       # [K, M, COUT]
    out = jnp.zeros((features.shape[0], weight.shape[2]), dtype=features.dtype)
    out = out.at[out_idx.reshape(-1)].add(prod.reshape(-1, weight.shape[2]))
    out = out + bias
    # nn.BatchNorm1d (training mode: batch statistics, biased variance, eps=1e-5)
    mean = jnp.mean(out, axis=0)
    var = jnp.var(out, axis=0)
    out = (out - mean) / jnp.sqrt(var + 1e-5)
    out = out * gamma + beta
    # relu
    return jnp.maximum(out, 0.0)

if __name__ == "__main__":
    import jax
    _d = setup_inputs()
    print(jax.jit(kernel)(*tuple(_d.values())))

</pallas_src>

<mosaic_0001>
#map = affine_map<(d0, d1) -> (0, 0)>
#map1 = affine_map<(d0, d1) -> (0, 0, 0)>
module attributes {stable_mosaic.version = 14 : i64} {
  func.func @body(%arg0: i32, %arg1: i32, %arg2: memref<50000x256xf32, #tpu.memory_space<hbm>>, %arg3: memref<32x66x128xi32, #tpu.memory_space<hbm>>, %arg4: memref<270336x256xf32, #tpu.memory_space<hbm>>, %arg5: memref<66x128xi32, #tpu.memory_space<vmem>>, %arg6: memref<128x256xf32, #tpu.memory_space<vmem>>, %arg7: memref<128x256xf32, #tpu.memory_space<vmem>>, %arg8: memref<!tpu.dma_semaphore, #tpu.memory_space<semaphore_mem>>, %arg9: memref<!tpu.dma_semaphore, #tpu.memory_space<semaphore_mem>>) attributes {dimension_semantics = [#tpu.dimension_semantics<core_parallel>, #tpu.dimension_semantics<subcore_parallel>], iteration_bounds = array<i64: 2, 16>, scalar_prefetch = 0 : i64, scratch_operands = 5 : i64, tpu.core_type = #tpu.core_type<sc_vector_subcore>, window_params = [{transform_indices = #map}, {transform_indices = #map1}, {transform_indices = #map}]} {
    %mul3A = arith.constant 2 : i32
    %mul3A_0 = arith.muli %arg1, %mul3A : i32
    %add3A = arith.addi %mul3A_0, %arg0 : i32
    "tpu.region"() ({
      %run_scoped3A = tpu.sem_alloc : memref<!tpu.dma_semaphore, #tpu.memory_space<semaphore_mem>>
      %dma_start3A_21 = arith.constant 0 : i32
      %dma_start3A_22 = arith.constant 0 : i32
      %dma_start3A_23 = tpu.memref_slice %arg3[%add3A, %dma_start3A_21, %dma_start3A_22] : memref<32x66x128xi32, #tpu.memory_space<hbm>> -> memref<1x66x128xi32, #tpu.memory_space<hbm>>
      %dma_start3A_24 = tpu.memref_squeeze %dma_start3A_23 : memref<1x66x128xi32, #tpu.memory_space<hbm>> -> memref<66x128xi32, #tpu.memory_space<hbm>>
      %dma_start3A_25 = arith.constant 0 : i32
      %dma_start3A_26 = arith.constant 0 : i32
      %dma_start3A_27 = tpu.memref_slice %arg3[%add3A, %dma_start3A_25, %dma_start3A_26] : memref<32x66x128xi32, #tpu.memory_space<hbm>> -> memref<1x66x128xi32, #tpu.memory_space<hbm>>
      %dma_start3A_28 = tpu.memref_squeeze %dma_start3A_27 : memref<1x66x128xi32, #tpu.memory_space<hbm>> -> memref<66x128xi32, #tpu.memory_space<hbm>>
      tpu.enqueue_dma source(%dma_start3A_28 : memref<66x128xi32, #tpu.memory_space<hbm>>) target(%arg5 : memref<66x128xi32, #tpu.memory_space<vmem>>) target_semaphore(%run_scoped3A : memref<!tpu.dma_semaphore, #tpu.memory_space<semaphore_mem>>)
      %dma_wait3A_29 = arith.constant 0 : i32
      %dma_wait3A_30 = arith.constant 0 : i32
      %dma_wait3A_31 = tpu.memref_slice %arg3[%add3A, %dma_wait3A_29, %dma_wait3A_30] : memref<32x66x128xi32, #tpu.memory_space<hbm>> -> memref<1x66x128xi32, #tpu.memory_space<hbm>>
      %dma_wait3A_32 = tpu.memref_squeeze %dma_wait3A_31 : memref<1x66x128xi32, #tpu.memory_space<hbm>> -> memref<66x128xi32, #tpu.memory_space<hbm>>
      %dma_wait3A_33 = arith.constant 0 : i32
      %dma_wait3A_34 = arith.constant 0 : i32
      %dma_wait3A_35 = tpu.memref_slice %arg3[%add3A, %dma_wait3A_33, %dma_wait3A_34] : memref<32x66x128xi32, #tpu.memory_space<hbm>> -> memref<1x66x128xi32, #tpu.memory_space<hbm>>
      %dma_wait3A_36 = tpu.memref_squeeze %dma_wait3A_35 : memref<1x66x128xi32, #tpu.memory_space<hbm>> -> memref<66x128xi32, #tpu.memory_space<hbm>>
      tpu.wait_dma2 semaphore(%run_scoped3A : memref<!tpu.dma_semaphore, #tpu.memory_space<semaphore_mem>>) src(%dma_wait3A_36 : memref<66x128xi32, #tpu.memory_space<hbm>>) dst(%arg5 : memref<66x128xi32, #tpu.memory_space<vmem>>)
      tpu.yield
    }) : () -> ()
    %mul3A_1 = arith.constant 8448 : i32
    %mul3A_2 = arith.muli %add3A, %mul3A_1 : i32
    %min3A = arith.constant 0 : i32
    %min3A_3 = arith.constant 65 : i32
    %min3A_4 = arith.minsi %min3A, %min3A_3 : i32
    %dma_start3A = arith.constant 0 : i32
    %dma_start3A_5 = tpu.memref_slice %arg5[%min3A_4, %dma_start3A] : memref<66x128xi32, #tpu.memory_space<vmem>> -> memref<1x128xi32, #tpu.memory_space<vmem>>
    %dma_start3A_6 = tpu.memref_squeeze %dma_start3A_5 : memref<1x128xi32, #tpu.memory_space<vmem>> -> memref<128xi32, #tpu.memory_space<vmem>>
    %dma_start3A_7 = arith.constant 0 : i32
    %dma_start3A_8 = arith.constant 0 : i32
    %dma_start3A_9 = tpu.memref_slice %arg2[%dma_start3A_7, %dma_start3A_8] : memref<50000x256xf32, #tpu.memory_space<hbm>> -> memref<50000x256xf32, #tpu.memory_space<hbm>>
    tpu.enqueue_indirect_dma source(%dma_start3A_9 : memref<50000x256xf32, #tpu.memory_space<hbm>>) target(%arg6 : memref<128x256xf32, #tpu.memory_space<vmem>>) offsets(%dma_start3A_6 : memref<128xi32, #tpu.memory_space<vmem>>) semaphore(%arg8 : memref<!tpu.dma_semaphore, #tpu.memory_space<semaphore_mem>>)
    %scan3A = arith.constant 0 : i32
    %scan3A_10 = arith.constant 0 : i32
    %scan3A_11 = arith.constant 33 : i32
    %scan3A_12 = arith.addi %scan3A_10, %scan3A_11 : i32
    %scan3A_13 = arith.constant 1 : i32
    scf.for %scan3A_21 = %scan3A_10 to %scan3A_12 step %scan3A_13  : i32 {
      %mul3A_22 = arith.constant 2 : i32
      %mul3A_23 = arith.muli %mul3A_22, %scan3A_21 : i32
      %add3A_24 = arith.constant 1 : i32
      %add3A_25 = arith.addi %mul3A_23, %add3A_24 : i32
      %min3A_26 = arith.constant 65 : i32
      %min3A_27 = arith.minsi %add3A_25, %min3A_26 : i32
      %dma_start3A_28 = arith.constant 0 : i32
      %dma_start3A_29 = tpu.memref_slice %arg5[%min3A_27, %dma_start3A_28] : memref<66x128xi32, #tpu.memory_space<vmem>> -> memref<1x128xi32, #tpu.memory_space<vmem>>
      %dma_start3A_30 = tpu.memref_squeeze %dma_start3A_29 : memref<1x128xi32, #tpu.memory_space<vmem>> -> memref<128xi32, #tpu.memory_space<vmem>>
      %dma_start3A_31 = arith.constant 0 : i32
      %dma_start3A_32 = arith.constant 0 : i32
      %dma_start3A_33 = tpu.memref_slice %arg2[%dma_start3A_31, %dma_start3A_32] : memref<50000x256xf32, #tpu.memory_space<hbm>> -> memref<50000x256xf32, #tpu.memory_space<hbm>>
      tpu.enqueue_indirect_dma source(%dma_start3A_33 : memref<50000x256xf32, #tpu.memory_space<hbm>>) target(%arg7 : memref<128x256xf32, #tpu.memory_space<vmem>>) offsets(%dma_start3A_30 : memref<128xi32, #tpu.memory_space<vmem>>) semaphore(%arg9 : memref<!tpu.dma_semaphore, #tpu.memory_space<semaphore_mem>>)
      %dma_wait3A_34 = arith.constant 0 : i32
      %dma_wait3A_35 = arith.constant 0 : i32
      %dma_wait3A_36 = tpu.memref_slice %arg5[%dma_wait3A_34, %dma_wait3A_35] : memref<66x128xi32, #tpu.memory_space<vmem>> -> memref<1x128xi32, #tpu.memory_space<vmem>>
      %dma_wait3A_37 = tpu.memref_squeeze %dma_wait3A_36 : memref<1x128xi32, #tpu.memory_space<vmem>> -> memref<128xi32, #tpu.memory_space<vmem>>
      %dma_wait3A_38 = arith.constant 0 : i32
      %dma_wait3A_39 = arith.constant 0 : i32
      %dma_wait3A_40 = tpu.memref_slice %arg2[%dma_wait3A_38, %dma_wait3A_39] : memref<50000x256xf32, #tpu.memory_space<hbm>> -> memref<50000x256xf32, #tpu.memory_space<hbm>>
      tpu.wait_indirect_dma semaphore(%arg8 : memref<!tpu.dma_semaphore, #tpu.memory_space<semaphore_mem>>) src(%dma_wait3A_40 : memref<50000x256xf32, #tpu.memory_space<hbm>>) dst(%arg6 : memref<128x256xf32, #tpu.memory_space<vmem>>)
      %mul3A_41 = arith.constant 128 : i32
      %mul3A_42 = arith.muli %mul3A_23, %mul3A_41 : i32
      %add3A_43 = arith.addi %mul3A_2, %mul3A_42 : i32
      "tpu.region"() ({
        %run_scoped3A = tpu.sem_alloc : memref<!tpu.dma_semaphore, #tpu.memory_space<semaphore_mem>>
        %dma_start3A_66 = arith.constant 0 : i32
        %dma_start3A_67 = tpu.memref_slice %arg4[%add3A_43, %dma_start3A_66] : memref<270336x256xf32, #tpu.memory_space<hbm>> -> memref<128x256xf32, #tpu.memory_space<hbm>>
        %dma_start3A_68 = arith.constant 0 : i32
        %dma_start3A_69 = tpu.memref_slice %arg4[%add3A_43, %dma_start3A_68] : memref<270336x256xf32, #tpu.memory_space<hbm>> -> memref<128x256xf32, #tpu.memory_space<hbm>>
        tpu.enqueue_dma source(%arg6 : memref<128x256xf32, #tpu.memory_space<vmem>>) target(%dma_start3A_69 : memref<128x256xf32, #tpu.memory_space<hbm>>) target_semaphore(%run_scoped3A : memref<!tpu.dma_semaphore, #tpu.memory_space<semaphore_mem>>)
        %dma_wait3A_70 = arith.constant 0 : i32
        %dma_wait3A_71 = tpu.memref_slice %arg4[%add3A_43, %dma_wait3A_70] : memref<270336x256xf32, #tpu.memory_space<hbm>> -> memref<128x256xf32, #tpu.memory_space<hbm>>
        %dma_wait3A_72 = arith.constant 0 : i32
        %dma_wait3A_73 = tpu.memref_slice %arg4[%add3A_43, %dma_wait3A_72] : memref<270336x256xf32, #tpu.memory_space<hbm>> -> memref<128x256xf32, #tpu.memory_space<hbm>>
        tpu.wait_dma2 semaphore(%run_scoped3A : memref<!tpu.dma_semaphore, #tpu.memory_space<semaphore_mem>>) src(%arg6 : memref<128x256xf32, #tpu.memory_space<vmem>>) dst(%dma_wait3A_73 : memref<128x256xf32, #tpu.memory_space<hbm>>)
        tpu.yield
      }) : () -> ()
      %add3A_44 = arith.constant 2 : i32
      %add3A_45 = arith.addi %mul3A_23, %add3A_44 : i32
      %min3A_46 = arith.constant 65 : i32
      %min3A_47 = arith.minsi %add3A_45, %min3A_46 : i32
      %dma_start3A_48 = arith.constant 0 : i32
      %dma_start3A_49 = tpu.memref_slice %arg5[%min3A_47, %dma_start3A_48] : memref<66x128xi32, #tpu.memory_space<vmem>> -> memref<1x128xi32, #tpu.memory_space<vmem>>
      %dma_start3A_50 = tpu.memref_squeeze %dma_start3A_49 : memref<1x128xi32, #tpu.memory_space<vmem>> -> memref<128xi32, #tpu.memory_space<vmem>>
      %dma_start3A_51 = arith.constant 0 : i32
      %dma_start3A_52 = arith.constant 0 : i32
      %dma_start3A_53 = tpu.memref_slice %arg2[%dma_start3A_51, %dma_start3A_52] : memref<50000x256xf32, #tpu.memory_space<hbm>> -> memref<50000x256xf32, #tpu.memory_space<hbm>>
      tpu.enqueue_indirect_dma source(%dma_start3A_53 : memref<50000x256xf32, #tpu.memory_space<hbm>>) target(%arg6 : memref<128x256xf32, #tpu.memory_space<vmem>>) offsets(%dma_start3A_50 : memref<128xi32, #tpu.memory_space<vmem>>) semaphore(%arg8 : memref<!tpu.dma_semaphore, #tpu.memory_space<semaphore_mem>>)
      %dma_wait3A_54 = arith.constant 0 : i32
      %dma_wait3A_55 = arith.constant 0 : i32
      %dma_wait3A_56 = tpu.memref_slice %arg5[%dma_wait3A_54, %dma_wait3A_55] : memref<66x128xi32, #tpu.memory_space<vmem>> -> memref<1x128xi32, #tpu.memory_space<vmem>>
      %dma_wait3A_57 = tpu.memref_squeeze %dma_wait3A_56 : memref<1x128xi32, #tpu.memory_space<vmem>> -> memref<128xi32, #tpu.memory_space<vmem>>
      %dma_wait3A_58 = arith.constant 0 : i32
      %dma_wait3A_59 = arith.constant 0 : i32
      %dma_wait3A_60 = tpu.memref_slice %arg2[%dma_wait3A_58, %dma_wait3A_59] : memref<50000x256xf32, #tpu.memory_space<hbm>> -> memref<50000x256xf32, #tpu.memory_space<hbm>>
      tpu.wait_indirect_dma semaphore(%arg9 : memref<!tpu.dma_semaphore, #tpu.memory_space<semaphore_mem>>) src(%dma_wait3A_60 : memref<50000x256xf32, #tpu.memory_space<hbm>>) dst(%arg7 : memref<128x256xf32, #tpu.memory_space<vmem>>)
      %add3A_61 = arith.constant 1 : i32
      %add3A_62 = arith.addi %mul3A_23, %add3A_61 : i32
      %mul3A_63 = arith.constant 128 : i32
      %mul3A_64 = arith.muli %add3A_62, %mul3A_63 : i32
      %add3A_65 = arith.addi %mul3A_2, %mul3A_64 : i32
      "tpu.region"() ({
        %run_scoped3A = tpu.sem_alloc : memref<!tpu.dma_semaphore, #tpu.memory_space<semaphore_mem>>
        %dma_start3A_66 = arith.constant 0 : i32
        %dma_start3A_67 = tpu.memref_slice %arg4[%add3A_65, %dma_start3A_66] : memref<270336x256xf32, #tpu.memory_space<hbm>> -> memref<128x256xf32, #tpu.memory_space<hbm>>
        %dma_start3A_68 = arith.constant 0 : i32
        %dma_start3A_69 = tpu.memref_slice %arg4[%add3A_65, %dma_start3A_68] : memref<270336x256xf32, #tpu.memory_space<hbm>> -> memref<128x256xf32, #tpu.memory_space<hbm>>
        tpu.enqueue_dma source(%arg7 : memref<128x256xf32, #tpu.memory_space<vmem>>) target(%dma_start3A_69 : memref<128x256xf32, #tpu.memory_space<hbm>>) target_semaphore(%run_scoped3A : memref<!tpu.dma_semaphore, #tpu.memory_space<semaphore_mem>>)
        %dma_wait3A_70 = arith.constant 0 : i32
        %dma_wait3A_71 = tpu.memref_slice %arg4[%add3A_65, %dma_wait3A_70] : memref<270336x256xf32, #tpu.memory_space<hbm>> -> memref<128x256xf32, #tpu.memory_space<hbm>>
        %dma_wait3A_72 = arith.constant 0 : i32
        %dma_wait3A_73 = tpu.memref_slice %arg4[%add3A_65, %dma_wait3A_72] : memref<270336x256xf32, #tpu.memory_space<hbm>> -> memref<128x256xf32, #tpu.memory_space<hbm>>
        tpu.wait_dma2 semaphore(%run_scoped3A : memref<!tpu.dma_semaphore, #tpu.memory_space<semaphore_mem>>) src(%arg7 : memref<128x256xf32, #tpu.memory_space<vmem>>) dst(%dma_wait3A_73 : memref<128x256xf32, #tpu.memory_space<hbm>>)
        tpu.yield
      }) : () -> ()
    }
    %scan3A_14 = arith.constant 33 : i32
    %dma_wait3A = arith.constant 0 : i32
    %dma_wait3A_15 = arith.constant 0 : i32
    %dma_wait3A_16 = tpu.memref_slice %arg5[%dma_wait3A, %dma_wait3A_15] : memref<66x128xi32, #tpu.memory_space<vmem>> -> memref<1x128xi32, #tpu.memory_space<vmem>>
    %dma_wait3A_17 = tpu.memref_squeeze %dma_wait3A_16 : memref<1x128xi32, #tpu.memory_space<vmem>> -> memref<128xi32, #tpu.memory_space<vmem>>
    %dma_wait3A_18 = arith.constant 0 : i32
    %dma_wait3A_19 = arith.constant 0 : i32
    %dma_wait3A_20 = tpu.memref_slice %arg2[%dma_wait3A_18, %dma_wait3A_19] : memref<50000x256xf32, #tpu.memory_space<hbm>> -> memref<50000x256xf32, #tpu.memory_space<hbm>>
    tpu.wait_indirect_dma semaphore(%arg8 : memref<!tpu.dma_semaphore, #tpu.memory_space<semaphore_mem>>) src(%dma_wait3A_20 : memref<50000x256xf32, #tpu.memory_space<hbm>>) dst(%arg6 : memref<128x256xf32, #tpu.memory_space<vmem>>)
    return
  }
}

</mosaic_0001>

<sc_bundles>
// kernel: run.3.cloned.1.call-start
scs
__scs_entry_jumppad:
0x0: {  	(pc) =	sbr.rel $0x88, $3  }
0x1: {  	(tag) =	ssettag $0x0;
	lr =	simm.s32 $0x1  }
0x2: {  	[smem:$0x3F9F] =	sst lr;
	_ =	strace $0xD0000000  }
0x3: {  	_ = 	snop  }
0x4: {  	_ = 	snop  }
0x5: {  	_ = 	snop  }
0x6: {  	_ = 	snop  }
0x7: {  	_ = 	snop  }
__scs_overlays_trampoline_lowered:
0x8: {  	[smem:$0x3FAE] =	sst s0  }
0x9: {  	[smem:$0x3FAF] =	sst s1  }
0xa: {  	[smem:$0x3FB0] =	sst s2  }
0xb: {  	[smem:$0x3FB1] =	sst s3  }
0xc: {  	[smem:$0x3FB2] =	sst s4  }
0xd: {  	[smem:$0x3FB3] =	sst s5  }
0xe: {  	[smem:$0x3FB4] =	sst s6  }
0xf: {  	[smem:$0x3FB5] =	sst s7  }
0x10: {  	[smem:$0x3FB6] =	sst s8  }
0x11: {  	[smem:$0x3FB7] =	sst s9;
	s0 =	simm.s32 @!p0 $0x0  }
0x12: {  	s1 =	sld [smem:$0x3F9D];
	s0 =	simm.s32 @p0 $0x1  }
0x13: {  	[smem:$0x3FB8] =	sst s0;
	s0 =	simm.s32 @!p1 $0x0  }
0x14: {  	s2 =	sld [smem:$0x3F9C];
	s0 =	simm.s32 @p1 $0x1  }
0x15: {  	[smem:$0x3FB9] =	sst s0;
	s0 =	simm.s32 @!p2 $0x0  }
0x16: {  	s3 =	sld [smem:$0x3FDB];
	s0 =	simm.s32 @p2 $0x1  }
0x17: {  	s4 =	simm.s32 $0x1BF5;
	[smem:$0x3FBB] =	sst s0  }
0x18: {  	s0 =	sld [smem:$0x3F9E];
	_ =	swait.ge [sflag:s4], $0x0  }
0x19: {  	s7 =	sld [smem:$0x3F9F]  }
0x1a: {  	s8 =	sadd.s32 $0xFFFFE003, lr  }
0x1b: {  	s9 =	sadd.s32 $0xFFFFFEF7, lr;
	s5 =	simm.s32 $0xFFFFFFFF;
	p2 =	slt.u32 s8, $0xFFFFF086  }
0x1c: {  	p1 =	slt.u32 s9, $0xF7A;
	s5 =	simm.s32 @!p2 $0x0  }
0x1d: {  	s5 =	simm.s32 @p1 $0x1;
	p0 =	seq.s32 s7, s2  }
0x1e: {  	s7 =	smul.u32 @!p0 $0xF7A, s2;
	p2 =	seq.s32 @!p0 s5, $0x0  }
0x1f: {  	s9 =	smul.u32 $0xF7A, s1;
	s8 =	simm.s32 @!p0 $0x1BF5;
	p2 =	por !p2, p0  }
0x20: {  	[sflag:s8] =	ssyncset.s32 @!p0 $0xFFFFF086;
	s6 =	sadd.s32 @!p0 s3, s7;
	s7 =	simm.s32 @!p0 $0x108  }
0x21: {  	s3 =	sadd.s32 s3, s9;
	s6 =	sadd.s32 @!p0 $0x88, s6;
	s7 =	simm.s32 @p2 $0x1082  }
0x22: {  	[simem:s7], [sflag:s8] =	dma.local @!p0 [hbm:s6], $0xF7A  }
0x23: {  	s9 =	sor.u32 $0xD0000000, s2;
	s6 =	simm.s32 $0x108;
	_ =	swait.ge @!p0 [sflag:s8], $0x0  }
0x24: {  	s3 =	sadd.s32 $0x88, s3;
	s6 =	simm.s32 @!p1 $0x1082;
	[sflag:s4] =	ssyncset.s32 $0xFFFFF086  }
0x25: {  	[simem:s6], [sflag:s4] =	dma.local [hbm:s3], $0xF7A  }
0x26: {  	[smem:$0x3F9F] =	sst s1;
	(tag) =	ssettag s2;
	_ =	strace s9  }
0x27: {  	s1 =	sld [smem:$0x3FAF]  }
0x28: {  	s2 =	sld [smem:$0x3FB0]  }
0x29: {  	s4 =	sld [smem:$0x3FB2]  }
0x2a: {  	p0 =	seq.s32 s5, $0x0;
	s5 =	sld [smem:$0x3FB3]  }
0x2b: {  	s6 =	sld [smem:$0x3FB4]  }
0x2c: {  	s7 =	sld [smem:$0x3FB5]  }
0x2d: {  	s3 =	simm.s32 $0x108;
	s8 =	sld [smem:$0x3FB6]  }
0x2e: {  	s3 =	simm.s32 @!p0 $0x1082;
	s9 =	sld [smem:$0x3FB7]  }
0x2f: {  	lr =	sadd.s32 s0, s3;
	s0 =	sld [smem:$0x3FAE]  }
0x30: {  	s3 =	sld [smem:$0x3FB1]  }
0x31: {  	[smem:$0x3FBA] =	sst s10  }
0x32: {  	s10 =	sld [smem:$0x3FB8];
	_ =	sdelay $0x3  }
0x33: {  	p0 =	seq.s32 s10, $0x1;
	s10 =	sld [smem:$0x3FBA];
	_ =	sdelay $0x3  }
0x34: {  	[smem:$0x3FBA] =	sst s10  }
0x35: {  	s10 =	sld [smem:$0x3FB9];
	_ =	sdelay $0x3  }
0x36: {  	p1 =	seq.s32 s10, $0x1;
	s10 =	sld [smem:$0x3FBA];
	_ =	sdelay $0x3  }
0x37: {  	[smem:$0x3FBA] =	sst s10  }
0x38: {  	s10 =	sld [smem:$0x3FBB]  }
0x39: {  	_ = 	snop;
	(pc) =	sbr.ind lr, $3  }
0x3a: {  	_ = 	snop  }
0x3b: {  	_ = 	snop  }
0x3c: {  	p2 =	seq.s32 s10, $0x1;
	s10 =	sld [smem:$0x3FBA]  }
0x3d: {  	_ =	shalt  }
0x3e: {  	_ =	shalt  }
0x3f: {  	_ =	shalt  }
0x40: {  	_ =	shalt  }
0x41: {  	_ =	shalt  }
0x42: {  	_ =	shalt  }
0x43: {  	_ =	shalt  }
0x44: {  	_ =	shalt  }
0x45: {  	_ =	shalt  }
0x46: {  	_ =	shalt  }
0x47: {  	_ =	shalt  }
0x48: {  	_ =	shalt  }
0x49: {  	_ =	shalt  }
0x4a: {  	_ =	shalt  }
0x4b: {  	_ =	shalt  }
0x4c: {  	_ =	shalt  }
0x4d: {  	_ =	shalt  }
0x4e: {  	_ =	shalt  }
0x4f: {  	_ =	shalt  }
0x50: {  	_ =	shalt  }
0x51: {  	_ =	shalt  }
0x52: {  	_ =	shalt  }
0x53: {  	_ =	shalt  }
0x54: {  	_ =	shalt  }
0x55: {  	_ =	shalt  }
0x56: {  	_ =	shalt  }
0x57: {  	_ =	shalt  }
0x58: {  	_ =	shalt  }
0x59: {  	_ =	shalt  }
0x5a: {  	_ =	shalt  }
0x5b: {  	_ =	shalt  }
0x5c: {  	_ =	shalt  }
0x5d: {  	_ =	shalt  }
0x5e: {  	_ =	shalt  }
0x5f: {  	_ =	shalt  }
0x60: {  	_ =	shalt  }
0x61: {  	_ =	shalt  }
0x62: {  	_ =	shalt  }
0x63: {  	_ =	shalt  }
0x64: {  	_ =	shalt  }
0x65: {  	_ =	shalt  }
0x66: {  	_ =	shalt  }
0x67: {  	_ =	shalt  }
0x68: {  	_ =	shalt  }
0x69: {  	_ =	shalt  }
0x6a: {  	_ =	shalt  }
0x6b: {  	_ =	shalt  }
0x6c: {  	_ =	shalt  }
0x6d: {  	_ =	shalt  }
0x6e: {  	_ =	shalt  }
0x6f: {  	_ =	shalt  }
0x70: {  	_ =	shalt  }
0x71: {  	_ =	shalt  }
0x72: {  	_ =	shalt  }
0x73: {  	_ =	shalt  }
0x74: {  	_ =	shalt  }
0x75: {  	_ =	shalt  }
0x76: {  	_ =	shalt  }
0x77: {  	_ =	shalt  }
0x78: {  	_ =	shalt  }
0x79: {  	_ =	shalt  }
0x7a: {  	_ =	shalt  }
0x7b: {  	_ =	shalt  }
0x7c: {  	_ =	shalt  }
0x7d: {  	_ =	shalt  }
0x7e: {  	_ =	shalt  }
0x7f: {  	_ =	shalt  }
0x80: {  	_ =	shalt  }
0x81: {  	_ =	shalt  }
0x82: {  	_ =	shalt  }
0x83: {  	_ =	shalt  }
0x84: {  	_ =	shalt  }
0x85: {  	_ =	shalt  }
0x86: {  	_ =	shalt  }
0x87: {  	_ =	shalt  }
.Lfunc_end0:
.L_simem_size_0:
called_computation_lowered:
.L_overlay_start_0:
0x88: {  	s2 =	sld [smem:$0x3FD9]  }
0x89: {  	s3 =	sld [smem:$0x3FFE];
	_ =	sdelay $0x1  }
0x8a: {  	s1 =	srdreg.scid  }
0x8b: {  	s0 =	sand.u32 $0x1, s1  }
0x8c: {  	s17 =	sshll.u32 s0, $0xA;
	s2 =	sadd.s32 s3, s2  }
0x8d: {  	s2 =	sadd.s32 s2, s17  }
0x8e: {  	[smem:$0x3FC6] =	sst s2  }
0x8f: {  	_ = 	snop  }
0x90: {  	s2 =	sld [smem:$0x3FC9]  }
0x91: {  	s18 =	sld [smem:$0x3FD0];
	(tm) =	ssettm $0x1  }
0x92: {  	s4 =	sld [smem:$0x3FFB];
	_ =	sdelay $0x3  }
0x93: {  	_ =	strace s4  }
0x94: {  	s4 =	sld [smem:$0x3FFC];
	_ =	sdelay $0x3  }
0x95: {  	_ =	strace s4  }
0x96: {  	s4 =	sld [smem:$0x3FFD];
	_ =	sdelay $0x3  }
0x97: {  	_ =	strace s4  }
0x98: {  	_ =	strace $0x8FFFFFFF  }
0x99: {  	s19 =	sld [smem:$0x3FDB];
	_ =	sdelay $0x1  }
0x9a: {  	s5 =	simm.s32 $_scs_section_size  }
0x9b: {  	s6 =	simm.s32 $_size__tile_overlayer_lowered;
	s7 =	simm.s32 $_tile_overlayer_lowered  }
0x9c: {  	s22 =	simm.s32 $0x1BFF;
	s21 =	sshll.u32 s7, $0x1;
	s4 =	sadd.s32 s5, s19  }
0x9d: {  	s8 =	simm.s32 $0x0;
	s20 =	sshll.u32 s6, $0x1;
	s6 =	sadd.s32 s21, s4  }
0x9e: {  	[timem:s8], [sflag:s22] =	dma.local [hbm:s6], s20  }
0x9f: {  	_ =	swait.ge [sflag:s22], s20  }
0xa0: {  	s5 =	ssub.s32 $0x0, s20;
	[sflag:s22] =	ssyncset.done $0x0  }
0xa1: {  	[sflag:s22] =	ssyncadd.s32 s5;
	_ =	sdelay $0x1  }
0xa2: {  	s23 =	simm.s32 $0x1B8B  }
0xa3: {  	_ =	swait.ge [sflag:s23], $0x1  }
0xa4: {  	[sflag:s23] =	ssyncset.done $0x0  }
0xa5: {  	s25 =	simm.s32 $0x1B8E;
	s24 =	sld [smem:$0x3FFE];
	[sflag:s23] =	ssyncadd.s32 $0xFFFFFFFF  }
0xa6: {  	s26 =	simm.s32 $execute0_lowered;
	[smem:$0x3FD2] =	sst s25  }
0xa7: {  	s6 =	sshll.u32 s26, $0x1;
	_ =	strace $0x80000046;
	[dreg:$0x1] =	wrdreg $0xFFFFFFFF  }
0xa8: {  	s28 =	simm.s32 $_size_execute0_lowered;
	s4 =	sadd.s32 s4, s6;
	[dreg:$0x0] =	wrdreg $0x0  }
0xa9: {  	s6 =	sshll.u32 s28, $0x1;
	[dreg:$0x2] =	wrdreg s4  }
0xaa: {  	[dreg:$0x3] =	wrdreg s6  }
0xab: {  	[dreg:$0x4] =	wrdreg $0xC0  }
0xac: {  	_ =	task [dreg:s8], $0x5FFFF  }
0xad: {  	[dreg:$0x1] =	wrdreg $0xFFFFFFFF  }
0xae: {  	[dreg:$0x0] =	wrdreg $0x60  }
0xaf: {  	[dreg:$0x2] =	wrdreg s2  }
0xb0: {  	[dreg:$0x3] =	wrdreg s24  }
0xb1: {  	[dreg:$0x4] =	wrdreg s18  }
0xb2: {  	[dreg:$0x5] =	wrdreg $0x9  }
0xb3: {  	_ =	task.clear_ibuf [dreg:s8], $0x6FFFF;
	_ =	strace $0x90000046  }
0xb4: {  	s29 =	simm.s32 $0x9;
	_ =	strace $0x80000048  }
0xb5: {  	_ =	swait.ge [sflag:s29], $0x1  }
0xb6: {  	[sflag:s29] =	ssyncadd.s32 $0xFFFFFFFF  }
0xb7: {  	_ =	strace $0x90000048  }
0xb8: {  	_ =	sfence  }
0xb9: {  	s30 =	sld [smem:$0x0];
	_ =	sdelay $0x2  }
0xba: {  	s31 =	sshll.u32 s1, $0xD;
	s1 =	sshrl.u32 s1, $0x2  }
0xbb: {  	s3 =	sand.u32 $0x4000, s31;
	s1 =	sadd.s32 s1, s30  }
0xbc: {  	s0 =	sor.u32 s3, s0;
	s1 =	sshll.u32 s1, $0x11  }
0xbd: {  	s0 =	sor.u32 s1, s0  }
0xbe: {  	s0 =	sadd.s32 $0x8F2B, s0  }
0xbf: {  	[sflag:s0] =	ssyncadd.remote.s32 $0x1  }
0xc0: {  	_ =	sfence.sel $0xFFFF  }
0xc1: {  	[dreg:$0x0] =	wrdreg $0xFFFFFFFF;
	(pc) =	sbr.abs _section_cstart, $3  }
0xc2: {  	[dreg:$0x1] =	wrdreg $0xFFFFFFFF  }
0xc3: {  	_ =	task.clear_ibuf [dreg:s8], $0x2FFFF;
	_ =	strace $0x9FFFFFFF  }
0xc4: {  	(tm) =	ssettm $0x7FFFFFFF  }
0xc5: {  	_ =	shalt  }
tec
execute0_lowered:
.L_overlay_start_1:
0x0: {  	(tag) =	ssettag $0x1  }
0x1: {  	s1 =	rddreg [dreg:$0x0]  }
0x2: {  	s0 =	rddreg [dreg:$0x1]  }
0x3: {  	s4 =	rddreg [dreg:$0x2];
	s2 =	srdreg.scid  }
0x4: {  	s3 =	stileid.u32;
	s9 =	simm.s32 $0x2400;
	s14 =	simm.s32 $0xAC00  }
0x5: {  	s10 =	simm.s32 $0x2C00;
	s15 =	simm.s32 $0xB400;
	s16 =	simm.s32 $0xBC00  }
0x6: {  	s5 =	sshll.u32 s3, $0x1;
	s6 =	smul.u32 $0x420000, s3;
	s3 =	simm.s32 $0x0  }
0x7: {  	s17 =	simm.s32 $0xC400;
	s18 =	simm.s32 $0xCC00;
	[smem:$0x7FF] =	sst s3  }
0x8: {  	s19 =	simm.s32 $0xD400;
	_ =	strace $0x80000047;
	[dreg:$0x4] =	wrdreg s14  }
0x9: {  	s20 =	simm.s32 $0xDC00;
	s21 =	simm.s32 $0xE400;
	[dreg:$0x5] =	wrdreg s15  }
0xa: {  	s22 =	simm.s32 $0xEC00;
	s23 =	simm.s32 $0xF400;
	[dreg:$0x6] =	wrdreg s16  }
0xb: {  	s24 =	simm.s32 $0xFC00;
	s25 =	simm.s32 $0x10400;
	[dreg:$0x7] =	wrdreg s17  }
0xc: {  	s26 =	simm.s32 $0x10C00;
	s30 =	simm.s32 $0x11400;
	[dreg:$0x8] =	wrdreg s18  }
0xd: {  	s31 =	simm.s32 $0x11C00;
	s28 =	simm.s32 $0x2;
	[dreg:$0x9] =	wrdreg s19  }
0xe: {  	s29 =	simm.s32 $0x0;
	s2 =	sand.u32 $0x1, s2;
	[dreg:$0xa] =	wrdreg s20  }
0xf: {  	s5 =	sor.u32 s2, s5;
	s7 =	smul.u32 $0x210000, s2;
	[dreg:$0xb] =	wrdreg s21  }
0x10: {  	s2 =	ssub.s32 $0x2, s2;
	s5 =	smul.u32 $0x480, s5;
	[dreg:$0xc] =	wrdreg s22  }
0x11: {  	s8 =	sshrl.u32 s2, $0x1;
	s14 =	simm.s32 $0x4C00;
	[dreg:$0xd] =	wrdreg s23  }
0x12: {  	s15 =	simm.s32 $0x5400;
	s16 =	simm.s32 $0x5C00;
	[dreg:$0xe] =	wrdreg s24  }
0x13: {  	s17 =	simm.s32 $0x6400;
	s18 =	simm.s32 $0x6C00;
	[dreg:$0xf] =	wrdreg s25  }
0x14: {  	s19 =	simm.s32 $0x7400;
	s20 =	simm.s32 $0x7C00;
	[dreg:$0x10] =	wrdreg s26  }
0x15: {  	s21 =	simm.s32 $0x8400;
	s22 =	simm.s32 $0x8C00;
	[dreg:$0x11] =	wrdreg s30  }
0x16: {  	s23 =	simm.s32 $0x9400;
	s24 =	simm.s32 $0x9C00;
	[dreg:$0x12] =	wrdreg s31  }
0x17: {  	s25 =	simm.s32 $0xA400;
	s26 =	simm.s32 $0x1;
	s6 =	sadd.s32 s7, s6  }
0x18: {  	s2 =	ssub.s32 s2, s8;
	s8 =	simm.s32 $0x3;
	s0 =	sadd.s32 s5, s0  }
0x19: {  	s11 =	sor.u32 $0x8000, s6;
	s12 =	sshrl.u32 s6, $0x3;
	s2 =	smax.u32 s2, $0x1  }
0x1a: {  	v2 =	vlaneseq.u32;
	s0 =	sadd.s32 $0x400, s0;
	s13 =	sshrl.u32 s11, $0x3;
	[dreg:$0x14] =	wrdreg s2  }
0x1b: {  	vm0 =	vmmov $0xffff;
	v1 =	vshrl.u32 v2, $0x3;
	s2 =	sadd.s32 s12, s4;
	s11 =	simm.s32 $0x3400;
	s12 =	simm.s32 $0x3C00  }
0x1c: {  	v0 =	vand.u32 $0x7, v2;
	v2 =	vor.u32 $0x8, v2;
	v1 =	vmul.u32 $0x8, v1;
	[dreg:$0x13] =	wrdreg s0;
	s7 =	sadd.s32 s13, s4;
	s13 =	simm.s32 $0x4400  }
.LBB2_1:
0x1d: {  	s0 =	rddreg [dreg:$0x13]  }
0x1e: {  	[tilespmem:s3], [sflag:$0x3] =	stream.linear.gather [hbm4b:s0+s3], $0x2100, $0x38;
	[tilespmem:$0x12400] =	vst v63  }
0x1f: {  	_ =	swait.ge [sflag:s8], $0x2100  }
0x20: {  	[sflag:s8] =	ssyncset.done $0x0  }
0x21: {  	[sflag:s8] =	ssyncadd.s32 $0xFFFFDF00  }
0x22: {  	v3 =	vld [tilespmem:$0x0];
	_ =	sdelay $0x4  }
0x23: {  	v4 =	vshll.u32 v3, $0x1  }
0x24: {  	v3 =	vand.u32 $0x7, v3;
	v4 =	vand.u32 $0xFFFFFFF0, v4  }
0x25: {  	v3 =	vor.u32 v3, v4  }
0x26: {  	v4 =	vperm.xlane v3, v0;
	_ =	sdelay $0x1  }
0x27: {  	v3 =	vperm.xlane v3, v2;
	v4 =	vadd.s32 v1, v4;
	_ =	sdelay $0x1  }
0x28: {  	v3 =	vadd.s32 v1, v3;
	_ =	sdelay $0x2  }
0x29: {  	[tilespmem:s9], [sflag:$0x1] =	stream.indirect_vreg.gather [hbm4b:s1+s3], $0x80, v4, vm0, $0xb8;
	[tilespmem:$0x12400] =	vst v63  }
0x2a: {  	_ = 	snop  }
0x2b: {  	[tilespmem:s10], [sflag:$0x1] =	stream.indirect_vreg.gather [hbm4b:s1+s3], $0x80, v3, vm0, $0xb8;
	[tilespmem:$0x12400] =	vst v63  }
0x2c: {  	v3 =	vld [tilespmem:$0x10];
	_ =	sdelay $0x4  }
0x2d: {  	v57 =	vshll.u32 v3, $0x1  }
0x2e: {  	v3 =	vand.u32 $0x7, v3;
	v4 =	vand.u32 $0xFFFFFFF0, v57  }
0x2f: {  	v3 =	vor.u32 v3, v4  }
0x30: {  	v4 =	vperm.xlane v3, v0;
	_ =	sdelay $0x1  }
0x31: {  	v3 =	vperm.xlane v3, v2;
	v4 =	vadd.s32 v1, v4;
	_ =	sdelay $0x1  }
0x32: {  	v3 =	vadd.s32 v1, v3;
	_ =	sdelay $0x2  }
0x33: {  	[tilespmem:s11], [sflag:$0x1] =	stream.indirect_vreg.gather [hbm4b:s1+s3], $0x80, v4, vm0, $0xb8;
	[tilespmem:$0x12400] =	vst v63  }
0x34: {  	_ = 	snop  }
0x35: {  	[tilespmem:s12], [sflag:$0x1] =	stream.indirect_vreg.gather [hbm4b:s1+s3], $0x80, v3, vm0, $0xb8;
	[tilespmem:$0x12400] =	vst v63  }
0x36: {  	v3 =	vld [tilespmem:$0x20];
	_ =	sdelay $0x4  }
0x37: {  	v58 =	vshll.u32 v3, $0x1  }
0x38: {  	v3 =	vand.u32 $0x7, v3;
	v4 =	vand.u32 $0xFFFFFFF0, v58  }
0x39: {  	v3 =	vor.u32 v3, v4  }
0x3a: {  	v4 =	vperm.xlane v3, v0;
	_ =	sdelay $0x1  }
0x3b: {  	v3 =	vperm.xlane v3, v2;
	v4 =	vadd.s32 v1, v4;
	_ =	sdelay $0x1  }
0x3c: {  	v3 =	vadd.s32 v1, v3;
	_ =	sdelay $0x2  }
0x3d: {  	[tilespmem:s13], [sflag:$0x1] =	stream.indirect_vreg.gather [hbm4b:s1+s3], $0x80, v4, vm0, $0xb8;
	[tilespmem:$0x12400] =	vst v63  }
0x3e: {  	_ = 	snop  }
0x3f: {  	[tilespmem:s14], [sflag:$0x1] =	stream.indirect_vreg.gather [hbm4b:s1+s3], $0x80, v3, vm0, $0xb8;
	[tilespmem:$0x12400] =	vst v63  }
0x40: {  	v3 =	vld [tilespmem:$0x30];
	_ =	sdelay $0x4  }
0x41: {  	v59 =	vshll.u32 v3, $0x1  }
0x42: {  	v3 =	vand.u32 $0x7, v3;
	v4 =	vand.u32 $0xFFFFFFF0, v59  }
0x43: {  	v3 =	vor.u32 v3, v4  }
0x44: {  	v4 =	vperm.xlane v3, v0;
	_ =	sdelay $0x1  }
0x45: {  	v3 =	vperm.xlane v3, v2;
	v4 =	vadd.s32 v1, v4;
	_ =	sdelay $0x1  }
0x46: {  	v3 =	vadd.s32 v1, v3;
	_ =	sdelay $0x2  }
0x47: {  	[tilespmem:s15], [sflag:$0x1] =	stream.indirect_vreg.gather [hbm4b:s1+s3], $0x80, v4, vm0, $0xb8;
	[tilespmem:$0x12400] =	vst v63  }
0x48: {  	_ = 	snop  }
0x49: {  	[tilespmem:s16], [sflag:$0x1] =	stream.indirect_vreg.gather [hbm4b:s1+s3], $0x80, v3, vm0, $0xb8;
	[tilespmem:$0x12400] =	vst v63  }
0x4a: {  	v3 =	vld [tilespmem:$0x40];
	_ =	sdelay $0x4  }
0x4b: {  	v60 =	vshll.u32 v3, $0x1  }
0x4c: {  	v3 =	vand.u32 $0x7, v3;
	v4 =	vand.u32 $0xFFFFFFF0, v60  }
0x4d: {  	v3 =	vor.u32 v3, v4  }
0x4e: {  	v4 =	vperm.xlane v3, v0;
	_ =	sdelay $0x1  }
0x4f: {  	v3 =	vperm.xlane v3, v2;
	v4 =	vadd.s32 v1, v4;
	_ =	sdelay $0x1  }
0x50: {  	v3 =	vadd.s32 v1, v3;
	_ =	sdelay $0x2  }
0x51: {  	[tilespmem:s17], [sflag:$0x1] =	stream.indirect_vreg.gather [hbm4b:s1+s3], $0x80, v4, vm0, $0xb8;
	[tilespmem:$0x12400] =	vst v63  }
0x52: {  	_ = 	snop  }
0x53: {  	[tilespmem:s18], [sflag:$0x1] =	stream.indirect_vreg.gather [hbm4b:s1+s3], $0x80, v3, vm0, $0xb8;
	[tilespmem:$0x12400] =	vst v63  }
0x54: {  	v3 =	vld [tilespmem:$0x50];
	_ =	sdelay $0x4  }
0x55: {  	v61 =	vshll.u32 v3, $0x1  }
0x56: {  	v3 =	vand.u32 $0x7, v3;
	v4 =	vand.u32 $0xFFFFFFF0, v61  }
0x57: {  	v3 =	vor.u32 v3, v4  }
0x58: {  	v4 =	vperm.xlane v3, v0;
	_ =	sdelay $0x1  }
0x59: {  	v3 =	vperm.xlane v3, v2;
	v4 =	vadd.s32 v1, v4;
	_ =	sdelay $0x1  }
0x5a: {  	v3 =	vadd.s32 v1, v3;
	_ =	sdelay $0x2  }
0x5b: {  	[tilespmem:s19], [sflag:$0x1] =	stream.indirect_vreg.gather [hbm4b:s1+s3], $0x80, v4, vm0, $0xb8;
	[tilespmem:$0x12400] =	vst v63  }
0x5c: {  	_ = 	snop  }
0x5d: {  	[tilespmem:s20], [sflag:$0x1] =	stream.indirect_vreg.gather [hbm4b:s1+s3], $0x80, v3, vm0, $0xb8;
	[tilespmem:$0x12400] =	vst v63  }
0x5e: {  	v3 =	vld [tilespmem:$0x60];
	_ =	sdelay $0x4  }
0x5f: {  	v62 =	vshll.u32 v3, $0x1  }
0x60: {  	v3 =	vand.u32 $0x7, v3;
	v4 =	vand.u32 $0xFFFFFFF0, v62  }
0x61: {  	v3 =	vor.u32 v3, v4  }
0x62: {  	v4 =	vperm.xlane v3, v0;
	_ =	sdelay $0x1  }
0x63: {  	v3 =	vperm.xlane v3, v2;
	v4 =	vadd.s32 v1, v4;
	_ =	sdelay $0x1  }
0x64: {  	v3 =	vadd.s32 v1, v3;
	_ =	sdelay $0x2  }
0x65: {  	[tilespmem:s21], [sflag:$0x1] =	stream.indirect_vreg.gather [hbm4b:s1+s3], $0x80, v4, vm0, $0xb8;
	[tilespmem:$0x12400] =	vst v63  }
0x66: {  	_ = 	snop  }
0x67: {  	[tilespmem:s22], [sflag:$0x1] =	stream.indirect_vreg.gather [hbm4b:s1+s3], $0x80, v3, vm0, $0xb8;
	[tilespmem:$0x12400] =	vst v63  }
0x68: {  	v3 =	vld [tilespmem:$0x70];
	_ =	sdelay $0x4  }
0x69: {  	v63 =	vshll.u32 v3, $0x1  }
0x6a: {  	v3 =	vand.u32 $0x7, v3;
	v4 =	vand.u32 $0xFFFFFFF0, v63  }
0x6b: {  	v3 =	vor.u32 v3, v4  }
0x6c: {  	v4 =	vperm.xlane v3, v0;
	_ =	sdelay $0x1  }
0x6d: {  	v3 =	vperm.xlane v3, v2;
	v4 =	vadd.s32 v1, v4;
	_ =	sdelay $0x1  }
0x6e: {  	v3 =	vadd.s32 v1, v3;
	_ =	sdelay $0x1  }
0x6f: {  	s30 =	simm.s32 $0xF0  }
0x70: {  	[tilespmem:s23], [sflag:$0x1] =	stream.indirect_vreg.gather [hbm4b:s1+s3], $0x80, v4, vm0, $0xb8;
	[tilespmem:$0x12400] =	vst v63  }
0x71: {  	s31 =	smov.u32 s7;
	s6 =	smov.u32 s2;
	s0 =	simm.s32 $0x0  }
0x72: {  	[tilespmem:s24], [sflag:$0x1] =	stream.indirect_vreg.gather [hbm4b:s1+s3], $0x80, v3, vm0, $0xb8;
	[tilespmem:$0x12400] =	vst v63  }
.LBB2_2:
0x73: {  	v3 =	vld [tilespmem:s30+$0xFFFFFF90];
	_ =	sdelay $0x4  }
0x74: {  	v4 =	vshll.u32 v3, $0x1  }
0x75: {  	v3 =	vand.u32 $0x7, v3;
	v4 =	vand.u32 $0xFFFFFFF0, v4  }
0x76: {  	v3 =	vor.u32 v3, v4  }
0x77: {  	v4 =	vperm.xlane v3, v0;
	_ =	sdelay $0x1  }
0x78: {  	v3 =	vperm.xlane v3, v2;
	v4 =	vadd.s32 v1, v4;
	_ =	sdelay $0x1  }
0x79: {  	v3 =	vadd.s32 v1, v3;
	_ =	sdelay $0x2  }
0x7a: {  	[tilespmem:s25], [sflag:$0x2] =	stream.indirect_vreg.gather [hbm4b:s1+s3], $0x80, v4, vm0, $0xb8;
	[tilespmem:$0x12400] =	vst v63  }
0x7b: {  	s4 =	rddreg [dreg:$0x4]  }
0x7c: {  	[tilespmem:s4], [sflag:$0x2] =	stream.indirect_vreg.gather [hbm4b:s1+s3], $0x80, v3, vm0, $0xb8;
	[tilespmem:$0x12400] =	vst v63  }
0x7d: {  	v3 =	vld [tilespmem:s30+$0xFFFFFFA0];
	_ =	sdelay $0x4  }
0x7e: {  	v49 =	vshll.u32 v3, $0x1  }
0x7f: {  	v3 =	vand.u32 $0x7, v3;
	v4 =	vand.u32 $0xFFFFFFF0, v49  }
0x80: {  	v3 =	vor.u32 v3, v4  }
0x81: {  	v4 =	vperm.xlane v3, v0;
	_ =	sdelay $0x1  }
0x82: {  	v3 =	vperm.xlane v3, v2;
	v4 =	vadd.s32 v1, v4;
	_ =	sdelay $0x1  }
0x83: {  	v3 =	vadd.s32 v1, v3;
	_ =	sdelay $0x1  }
0x84: {  	s4 =	rddreg [dreg:$0x5]  }
0x85: {  	[tilespmem:s4], [sflag:$0x2] =	stream.indirect_vreg.gather [hbm4b:s1+s3], $0x80, v4, vm0, $0xb8;
	[tilespmem:$0x12400] =	vst v63  }
0x86: {  	s5 =	rddreg [dreg:$0x6]  }
0x87: {  	[tilespmem:s5], [sflag:$0x2] =	stream.indirect_vreg.gather [hbm4b:s1+s3], $0x80, v3, vm0, $0xb8;
	[tilespmem:$0x12400] =	vst v63  }
0x88: {  	v3 =	vld [tilespmem:s30+$0xFFFFFFB0];
	_ =	sdelay $0x4  }
0x89: {  	v50 =	vshll.u32 v3, $0x1  }
0x8a: {  	v3 =	vand.u32 $0x7, v3;
	v4 =	vand.u32 $0xFFFFFFF0, v50  }
0x8b: {  	v3 =	vor.u32 v3, v4  }
0x8c: {  	v4 =	vperm.xlane v3, v0;
	_ =	sdelay $0x1  }
0x8d: {  	v3 =	vperm.xlane v3, v2;
	v4 =	vadd.s32 v1, v4;
	_ =	sdelay $0x1  }
0x8e: {  	v3 =	vadd.s32 v1, v3;
	_ =	sdelay $0x1  }
0x8f: {  	s4 =	rddreg [dreg:$0x7]  }
0x90: {  	[tilespmem:s4], [sflag:$0x2] =	stream.indirect_vreg.gather [hbm4b:s1+s3], $0x80, v4, vm0, $0xb8;
	[tilespmem:$0x12400] =	vst v63  }
0x91: {  	s5 =	rddreg [dreg:$0x8]  }
0x92: {  	[tilespmem:s5], [sflag:$0x2] =	stream.indirect_vreg.gather [hbm4b:s1+s3], $0x80, v3, vm0, $0xb8;
	[tilespmem:$0x12400] =	vst v63  }
0x93: {  	v3 =	vld [tilespmem:s30+$0xFFFFFFC0];
	_ =	sdelay $0x4  }
0x94: {  	v51 =	vshll.u32 v3, $0x1  }
0x95: {  	v3 =	vand.u32 $0x7, v3;
	v4 =	vand.u32 $0xFFFFFFF0, v51  }
0x96: {  	v3 =	vor.u32 v3, v4  }
0x97: {  	v4 =	vperm.xlane v3, v0;
	_ =	sdelay $0x1  }
0x98: {  	v3 =	vperm.xlane v3, v2;
	v4 =	vadd.s32 v1, v4;
	_ =	sdelay $0x1  }
0x99: {  	v3 =	vadd.s32 v1, v3;
	_ =	sdelay $0x1  }
0x9a: {  	s4 =	rddreg [dreg:$0x9]  }
0x9b: {  	[tilespmem:s4], [sflag:$0x2] =	stream.indirect_vreg.gather [hbm4b:s1+s3], $0x80, v4, vm0, $0xb8;
	[tilespmem:$0x12400] =	vst v63  }
0x9c: {  	s5 =	rddreg [dreg:$0xa]  }
0x9d: {  	[tilespmem:s5], [sflag:$0x2] =	stream.indirect_vreg.gather [hbm4b:s1+s3], $0x80, v3, vm0, $0xb8;
	[tilespmem:$0x12400] =	vst v63  }
0x9e: {  	v3 =	vld [tilespmem:s30+$0xFFFFFFD0];
	_ =	sdelay $0x4  }
0x9f: {  	v52 =	vshll.u32 v3, $0x1  }
0xa0: {  	v3 =	vand.u32 $0x7, v3;
	v4 =	vand.u32 $0xFFFFFFF0, v52  }
0xa1: {  	v3 =	vor.u32 v3, v4  }
0xa2: {  	v4 =	vperm.xlane v3, v0;
	_ =	sdelay $0x1  }
0xa3: {  	v3 =	vperm.xlane v3, v2;
	v4 =	vadd.s32 v1, v4;
	_ =	sdelay $0x1  }
0xa4: {  	v3 =	vadd.s32 v1, v3;
	_ =	sdelay $0x1  }
0xa5: {  	s4 =	rddreg [dreg:$0xb]  }
0xa6: {  	[tilespmem:s4], [sflag:$0x2] =	stream.indirect_vreg.gather [hbm4b:s1+s3], $0x80, v4, vm0, $0xb8;
	[tilespmem:$0x12400] =	vst v63  }
0xa7: {  	s5 =	rddreg [dreg:$0xc]  }
0xa8: {  	[tilespmem:s5], [sflag:$0x2] =	stream.indirect_vreg.gather [hbm4b:s1+s3], $0x80, v3, vm0, $0xb8;
	[tilespmem:$0x12400] =	vst v63  }
0xa9: {  	v3 =	vld [tilespmem:s30+$0xFFFFFFE0];
	_ =	sdelay $0x4  }
0xaa: {  	v53 =	vshll.u32 v3, $0x1  }
0xab: {  	v3 =	vand.u32 $0x7, v3;
	v4 =	vand.u32 $0xFFFFFFF0, v53  }
0xac: {  	v3 =	vor.u32 v3, v4  }
0xad: {  	v4 =	vperm.xlane v3, v0;
	_ =	sdelay $0x1  }
0xae: {  	v3 =	vperm.xlane v3, v2;
	v4 =	vadd.s32 v1, v4;
	_ =	sdelay $0x1  }
0xaf: {  	v3 =	vadd.s32 v1, v3;
	_ =	sdelay $0x1  }
0xb0: {  	s4 =	rddreg [dreg:$0xd]  }
0xb1: {  	[tilespmem:s4], [sflag:$0x2] =	stream.indirect_vreg.gather [hbm4b:s1+s3], $0x80, v4, vm0, $0xb8;
	[tilespmem:$0x12400] =	vst v63  }
0xb2: {  	s5 =	rddreg [dreg:$0xe]  }
0xb3: {  	[tilespmem:s5], [sflag:$0x2] =	stream.indirect_vreg.gather [hbm4b:s1+s3], $0x80, v3, vm0, $0xb8;
	[tilespmem:$0x12400] =	vst v63  }
0xb4: {  	v3 =	vld [tilespmem:s30+$0xFFFFFFF0];
	_ =	sdelay $0x4  }
0xb5: {  	v54 =	vshll.u32 v3, $0x1  }
0xb6: {  	v3 =	vand.u32 $0x7, v3;
	v4 =	vand.u32 $0xFFFFFFF0, v54  }
0xb7: {  	v3 =	vor.u32 v3, v4  }
0xb8: {  	v4 =	vperm.xlane v3, v0;
	_ =	sdelay $0x1  }
0xb9: {  	v3 =	vperm.xlane v3, v2;
	v4 =	vadd.s32 v1, v4;
	_ =	sdelay $0x1  }
0xba: {  	v3 =	vadd.s32 v1, v3;
	_ =	sdelay $0x1  }
0xbb: {  	s4 =	rddreg [dreg:$0xf]  }
0xbc: {  	[tilespmem:s4], [sflag:$0x2] =	stream.indirect_vreg.gather [hbm4b:s1+s3], $0x80, v4, vm0, $0xb8;
	[tilespmem:$0x12400] =	vst v63  }
0xbd: {  	s5 =	rddreg [dreg:$0x10]  }
0xbe: {  	[tilespmem:s5], [sflag:$0x2] =	stream.indirect_vreg.gather [hbm4b:s1+s3], $0x80, v3, vm0, $0xb8;
	[tilespmem:$0x12400] =	vst v63  }
0xbf: {  	v3 =	vld [tilespmem:s30+$0x0];
	_ =	sdelay $0x4  }
0xc0: {  	v55 =	vshll.u32 v3, $0x1  }
0xc1: {  	v3 =	vand.u32 $0x7, v3;
	v4 =	vand.u32 $0xFFFFFFF0, v55  }
0xc2: {  	v3 =	vor.u32 v3, v4  }
0xc3: {  	v4 =	vperm.xlane v3, v0;
	_ =	sdelay $0x1  }
0xc4: {  	v3 =	vperm.xlane v3, v2;
	v4 =	vadd.s32 v1, v4;
	_ =	sdelay $0x1  }
0xc5: {  	v3 =	vadd.s32 v1, v3;
	_ =	sdelay $0x1  }
0xc6: {  	s4 =	rddreg [dreg:$0x11]  }
0xc7: {  	[tilespmem:s4], [sflag:$0x2] =	stream.indirect_vreg.gather [hbm4b:s1+s3], $0x80, v4, vm0, $0xb8;
	[tilespmem:$0x12400] =	vst v63  }
0xc8: {  	s5 =	rddreg [dreg:$0x12]  }
0xc9: {  	[tilespmem:s5], [sflag:$0x2] =	stream.indirect_vreg.gather [hbm4b:s1+s3], $0x80, v3, vm0, $0xb8;
	[tilespmem:$0x12400] =	vst v63  }
0xca: {  	_ =	swait.ge [sflag:s26], $0x8000  }
0xcb: {  	[sflag:s26] =	ssyncset.done $0x0  }
0xcc: {  	[sflag:s26] =	ssyncadd.s32 $0xFFFF8000  }
0xcd: {  	[hbm4b:s6+s3] =	stream.linear.scatter [tilespmem:s9], [sflag:$0x3], $0x8000, $0x38;
	[tilespmem:$0x12400] =	vst v63  }
0xce: {  	_ =	swait.ge [sflag:s8], $0x8000  }
0xcf: {  	s5 =	smin.u32 s0, $0x3F;
	[sflag:s8] =	ssyncset.done $0x0  }
0xd0: {  	s4 =	sshll.u32 s5, $0x7;
	[sflag:s8] =	ssyncadd.s32 $0xFFFF8000  }
0xd1: {  	v3 =	vld [tilespmem:s4+$0x100];
	_ =	sdelay $0x4  }
0xd2: {  	v56 =	vshll.u32 v3, $0x1  }
0xd3: {  	v3 =	vand.u32 $0x7, v3;
	v4 =	vand.u32 $0xFFFFFFF0, v56  }
0xd4: {  	v3 =	vor.u32 v3, v4  }
0xd5: {  	v4 =	vperm.xlane v3, v0;
	_ =	sdelay $0x1  }
0xd6: {  	v3 =	vperm.xlane v3, v2;
	v4 =	vadd.s32 v1, v4;
	_ =	sdelay $0x1  }
0xd7: {  	v3 =	vadd.s32 v1, v3;
	_ =	sdelay $0x2  }
0xd8: {  	[tilespmem:s9], [sflag:$0x1] =	stream.indirect_vreg.gather [hbm4b:s1+s3], $0x80, v4, vm0, $0xb8;
	[tilespmem:$0x12400] =	vst v63  }
0xd9: {  	_ = 	snop  }
0xda: {  	[tilespmem:s10], [sflag:$0x1] =	stream.indirect_vreg.gather [hbm4b:s1+s3], $0x80, v3, vm0, $0xb8;
	[tilespmem:$0x12400] =	vst v63  }
0xdb: {  	v3 =	vld [tilespmem:s4+$0x110];
	_ =	sdelay $0x4  }
0xdc: {  	v57 =	vshll.u32 v3, $0x1  }
0xdd: {  	v3 =	vand.u32 $0x7, v3;
	v4 =	vand.u32 $0xFFFFFFF0, v57  }
0xde: {  	v3 =	vor.u32 v3, v4  }
0xdf: {  	v4 =	vperm.xlane v3, v0;
	_ =	sdelay $0x1  }
0xe0: {  	v3 =	vperm.xlane v3, v2;
	v4 =	vadd.s32 v1, v4;
	_ =	sdelay $0x1  }
0xe1: {  	v3 =	vadd.s32 v1, v3;
	_ =	sdelay $0x2  }
0xe2: {  	[tilespmem:s11], [sflag:$0x1] =	stream.indirect_vreg.gather [hbm4b:s1+s3], $0x80, v4, vm0, $0xb8;
	[tilespmem:$0x12400] =	vst v63  }
0xe3: {  	_ = 	snop  }
0xe4: {  	[tilespmem:s12], [sflag:$0x1] =	stream.indirect_vreg.gather [hbm4b:s1+s3], $0x80, v3, vm0, $0xb8;
	[tilespmem:$0x12400] =	vst v63  }
0xe5: {  	v3 =	vld [tilespmem:s4+$0x120];
	_ =	sdelay $0x4  }
0xe6: {  	v58 =	vshll.u32 v3, $0x1  }
0xe7: {  	v3 =	vand.u32 $0x7, v3;
	v4 =	vand.u32 $0xFFFFFFF0, v58  }
0xe8: {  	v3 =	vor.u32 v3, v4  }
0xe9: {  	v4 =	vperm.xlane v3, v0;
	_ =	sdelay $0x1  }
0xea: {  	v3 =	vperm.xlane v3, v2;
	v4 =	vadd.s32 v1, v4;
	_ =	sdelay $0x1  }
0xeb: {  	v3 =	vadd.s32 v1, v3;
	_ =	sdelay $0x2  }
0xec: {  	[tilespmem:s13], [sflag:$0x1] =	stream.indirect_vreg.gather [hbm4b:s1+s3], $0x80, v4, vm0, $0xb8;
	[tilespmem:$0x12400] =	vst v63  }
0xed: {  	_ = 	snop  }
0xee: {  	[tilespmem:s14], [sflag:$0x1] =	stream.indirect_vreg.gather [hbm4b:s1+s3], $0x80, v3, vm0, $0xb8;
	[tilespmem:$0x12400] =	vst v63  }
0xef: {  	v3 =	vld [tilespmem:s4+$0x130];
	_ =	sdelay $0x4  }
0xf0: {  	v59 =	vshll.u32 v3, $0x1  }
0xf1: {  	v3 =	vand.u32 $0x7, v3;
	v4 =	vand.u32 $0xFFFFFFF0, v59  }
0xf2: {  	v3 =	vor.u32 v3, v4  }
0xf3: {  	v4 =	vperm.xlane v3, v0;
	_ =	sdelay $0x1  }
0xf4: {  	v3 =	vperm.xlane v3, v2;
	v4 =	vadd.s32 v1, v4;
	_ =	sdelay $0x1  }
0xf5: {  	v3 =	vadd.s32 v1, v3;
	_ =	sdelay $0x2  }
0xf6: {  	[tilespmem:s15], [sflag:$0x1] =	stream.indirect_vreg.gather [hbm4b:s1+s3], $0x80, v4, vm0, $0xb8;
	[tilespmem:$0x12400] =	vst v63  }
0xf7: {  	_ = 	snop  }
0xf8: {  	[tilespmem:s16], [sflag:$0x1] =	stream.indirect_vreg.gather [hbm4b:s1+s3], $0x80, v3, vm0, $0xb8;
	[tilespmem:$0x12400] =	vst v63  }
0xf9: {  	v3 =	vld [tilespmem:s4+$0x140];
	_ =	sdelay $0x4  }
0xfa: {  	v60 =	vshll.u32 v3, $0x1  }
0xfb: {  	v3 =	vand.u32 $0x7, v3;
	v4 =	vand.u32 $0xFFFFFFF0, v60  }
0xfc: {  	v3 =	vor.u32 v3, v4  }
0xfd: {  	v4 =	vperm.xlane v3, v0;
	_ =	sdelay $0x1  }
0xfe: {  	v3 =	vperm.xlane v3, v2;
	v4 =	vadd.s32 v1, v4;
	_ =	sdelay $0x1  }
0xff: {  	v3 =	vadd.s32 v1, v3;
	_ =	sdelay $0x2  }
0x100: {  	[tilespmem:s17], [sflag:$0x1] =	stream.indirect_vreg.gather [hbm4b:s1+s3], $0x80, v4, vm0, $0xb8;
	[tilespmem:$0x12400] =	vst v63  }
0x101: {  	_ = 	snop  }
0x102: {  	[tilespmem:s18], [sflag:$0x1] =	stream.indirect_vreg.gather [hbm4b:s1+s3], $0x80, v3, vm0, $0xb8;
	[tilespmem:$0x12400] =	vst v63  }
0x103: {  	v3 =	vld [tilespmem:s4+$0x150];
	_ =	sdelay $0x4  }
0x104: {  	v61 =	vshll.u32 v3, $0x1  }
0x105: {  	v3 =	vand.u32 $0x7, v3;
	v4 =	vand.u32 $0xFFFFFFF0, v61  }
0x106: {  	v3 =	vor.u32 v3, v4  }
0x107: {  	v4 =	vperm.xlane v3, v0;
	_ =	sdelay $0x1  }
0x108: {  	v3 =	vperm.xlane v3, v2;
	v4 =	vadd.s32 v1, v4;
	_ =	sdelay $0x1  }
0x109: {  	v3 =	vadd.s32 v1, v3;
	_ =	sdelay $0x2  }
0x10a: {  	[tilespmem:s19], [sflag:$0x1] =	stream.indirect_vreg.gather [hbm4b:s1+s3], $0x80, v4, vm0, $0xb8;
	[tilespmem:$0x12400] =	vst v63  }
0x10b: {  	_ = 	snop  }
0x10c: {  	[tilespmem:s20], [sflag:$0x1] =	stream.indirect_vreg.gather [hbm4b:s1+s3], $0x80, v3, vm0, $0xb8;
	[tilespmem:$0x12400] =	vst v63  }
0x10d: {  	v3 =	vld [tilespmem:s4+$0x160];
	_ =	sdelay $0x4  }
0x10e: {  	v62 =	vshll.u32 v3, $0x1  }
0x10f: {  	v3 =	vand.u32 $0x7, v3;
	v4 =	vand.u32 $0xFFFFFFF0, v62  }
0x110: {  	v3 =	vor.u32 v3, v4  }
0x111: {  	v4 =	vperm.xlane v3, v0;
	_ =	sdelay $0x1  }
0x112: {  	v3 =	vperm.xlane v3, v2;
	v4 =	vadd.s32 v1, v4;
	_ =	sdelay $0x1  }
0x113: {  	v3 =	vadd.s32 v1, v3;
	_ =	sdelay $0x2  }
0x114: {  	[tilespmem:s21], [sflag:$0x1] =	stream.indirect_vreg.gather [hbm4b:s1+s3], $0x80, v4, vm0, $0xb8;
	[tilespmem:$0x12400] =	vst v63  }
0x115: {  	_ = 	snop  }
0x116: {  	[tilespmem:s22], [sflag:$0x1] =	stream.indirect_vreg.gather [hbm4b:s1+s3], $0x80, v3, vm0, $0xb8;
	[tilespmem:$0x12400] =	vst v63  }
0x117: {  	v3 =	vld [tilespmem:s4+$0x170];
	_ =	sdelay $0x4  }
0x118: {  	v63 =	vshll.u32 v3, $0x1  }
0x119: {  	v3 =	vand.u32 $0x7, v3;
	v4 =	vand.u32 $0xFFFFFFF0, v63  }
0x11a: {  	v3 =	vor.u32 v3, v4  }
0x11b: {  	v4 =	vperm.xlane v3, v0;
	_ =	sdelay $0x1  }
0x11c: {  	v3 =	vperm.xlane v3, v2;
	v4 =	vadd.s32 v1, v4;
	_ =	sdelay $0x1  }
0x11d: {  	v3 =	vadd.s32 v1, v3;
	_ =	sdelay $0x2  }
0x11e: {  	[tilespmem:s23], [sflag:$0x1] =	stream.indirect_vreg.gather [hbm4b:s1+s3], $0x80, v4, vm0, $0xb8;
	[tilespmem:$0x12400] =	vst v63  }
0x11f: {  	_ = 	snop  }
0x120: {  	[tilespmem:s24], [sflag:$0x1] =	stream.indirect_vreg.gather [hbm4b:s1+s3], $0x80, v3, vm0, $0xb8;
	[tilespmem:$0x12400] =	vst v63  }
0x121: {  	_ =	swait.ge [sflag:s28], $0x8000  }
0x122: {  	p0 =	sne.s32 s0, $0x40;
	[sflag:s28] =	ssyncset.done $0x0  }
.Ltmp0:
0x123: {  	[sflag:s28] =	ssyncadd.s32 $0xFFFF8000;
	(pc) =	sbr.rel @p0 .LBB2_2-.Ltmp0, $4  }
0x124: {  	[hbm4b:s31+s3] =	stream.linear.scatter [tilespmem:s25], [sflag:$0x3], $0x8000, $0x38;
	[tilespmem:$0x12400] =	vst v63  }
0x125: {  	_ =	swait.ge [sflag:s8], $0x8000  }
0x126: {  	s30 =	sadd.s32 $0x100, s30;
	s0 =	sadd.s32 $0x2, s0;
	[sflag:s8] =	ssyncset.done $0x0  }
0x127: {  	s6 =	sadd.s32 $0x2000, s6;
	s31 =	sadd.s32 $0x2000, s31;
	[sflag:s8] =	ssyncadd.s32 $0xFFFF8000  }
0x128: {  	_ =	swait.ge [sflag:s26], $0x8000  }
0x129: {  	s29 =	sadd.s32 $0x1, s29;
	s0 =	rddreg [dreg:$0x14]  }
0x12a: {  	p0 =	sne.s32 s29, s0  }
.Ltmp1:
0x12b: {  	_ = 	snop;
	(pc) =	sbr.rel @p0 .LBB2_1-.Ltmp1, $3  }
0x12c: {  	_ =	sdelay $0x1  }
0x12d: {  	[sflag:s26] =	ssyncset.done $0x0  }
0x12e: {  	[sflag:s26] =	ssyncadd.s32 $0xFFFF8000  }
0x12f: {  	_ =	sfence.sel $0x180000  }
0x130: {  	[bflag:$0x0] =	sbarrier.arrive $0xFFFF  }
0x131: {  	_ =	strace $0x90000047  }
0x132: {  	s0 =	stileid.u32;
	[bflag:$0x2] =	sbarrier.arrive $0xFFFF  }
0x133: {  	p0 =	sne.s32 s0, $0x0;
	s0 =	rddreg [dreg:$0x3]  }
0x134: {  	s0 =	sadd.s32 @!p0 $0x100000, s0  }
0x135: {  	[sflag:s0] =	ssyncadd.tile.s32 @!p0 $0x1;
	_ =	shalt  }
.Lfunc_end2:
_tile_overlayer_lowered:
.L_overlay_start_2:
0x136: {  	(tag) =	ssettag $0x2  }
0x137: {  	s0 =	rddreg [dreg:$0x0];
	s2 =	stileid.u32  }
0x138: {  	s1 =	rddreg [dreg:$0x1];
	p0 =	sne.s32 s2, $0x0  }
0x139: {  	s3 =	rddreg [dreg:$0x2];
	[bflag:$0x3] =	sbarrier.arrive $0xFFFF;
	s2 =	simm.s32 @!p0 $0x1C03  }
0x13a: {  	[timem:s3], [sflag:s2] =	dma.local @!p0 [hbm:s0], s1  }
0x13b: {  	s0 =	simm.s32 @!p0 $0x3  }
0x13c: {  	_ =	swait.ge @!p0 [sflag:s0], s1  }
0x13d: {  	s1 =	ssub.s32 @!p0 $0x0, s1;
	[sflag:s0] =	ssyncset.done @!p0 $0x0  }
0x13e: {  	[sflag:s0] =	ssyncadd.s32 @!p0 s1  }
0x13f: {  	[bflag:$0x3] =	sbarrier.arrive $0xFFFF  }
0x140: {  	_ =	shalt  }

</sc_bundles>
